<compile_context>
chip_gen: v7x
topology: tpu7x:2x2x1
jax: 0.10.2.dev20260603
libtpu: 0.0.44.dev20260713+nightly
codegen_flags: <defaults>
</compile_context>

<pallas_src>
import functools

import jax
import jax.numpy as jnp
from jax import lax
from jax.experimental import pallas as pl
from jax.experimental.pallas import tpu as pltpu
from jax.experimental.pallas import tpu_sc as plsc

_NUM_HEADS = 16
_G = 25
_LANES = 16


def _sc_bias_gather(bias_table, rel_idx):
    mesh = plsc.VectorSubcoreMesh(
        core_axis_name="c", subcore_axis_name="s", num_cores=1
    )

    @functools.partial(
        pl.kernel,
        mesh=mesh,
        out_type=jax.ShapeDtypeStruct((_NUM_HEADS, _G, _G), jnp.float32),
        scratch_types=[
            pltpu.VMEM(bias_table.shape, jnp.float32),
            pltpu.VMEM((_G, _G), jnp.int32),
            pltpu.VMEM((_G, _G), jnp.float32),
            pltpu.SemaphoreType.DMA,
            pltpu.SemaphoreType.DMA,
        ],
        compiler_params=pltpu.CompilerParams(
            needs_layout_passes=False, use_tc_tiling_on_sc=False
        ),
    )
    def body(table_hbm, idx_hbm, out_hbm, table_v, idx_v, out_v, sem_t, sem_i):
        head = lax.axis_index("s")
        hvec = jnp.full((_LANES,), head, dtype=jnp.int32)
        cp_t = pltpu.async_copy(table_hbm, table_v, sem_t)
        cp_i = pltpu.async_copy(idx_hbm, idx_v, sem_i)
        cp_t.wait()
        cp_i.wait()

        def row(r, carry):
            for c in (0, _G - _LANES):
                iv = idx_v[r, pl.ds(c, _LANES)]
                out_v[r, pl.ds(c, _LANES)] = plsc.load_gather(
                    table_v, [iv, hvec]
                )
            return carry

        lax.fori_loop(0, _G, row, 0, unroll=False)
        pltpu.sync_copy(out_v, out_hbm.at[head])

    return body(bias_table, rel_idx)


def kernel(bias_table, rel_idx):
    return _sc_bias_gather(bias_table, rel_idx.astype(jnp.int32))

# --- scband reference (transcript-rebuilt; emitter-appended) ---
"""Pipeline reference for scband-relative-position-bias-63866163692315 (READ-ONLY COPY).

The authoritative reference and input builder live on the scoring server;
editing this copy changes nothing except your own understanding.
"""

import jax, jax.numpy as jnp
import numpy as np

NUM_HEADS = 16
GRID_SIZE = 5

def _build_rel_idx(grid_size):
    max_offset = 2 * grid_size - 1
    coords = np.stack(np.meshgrid(np.arange(grid_size), np.arange(grid_size), indexing='ij'))
    coords_flat = coords.reshape(2, -1)
    rel = coords_flat[:, :, None] - coords_flat[:, None, :]
    rel[0] += grid_size - 1
    rel[1] += grid_size - 1
    rel_idx = rel[0] * max_offset + rel[1]
    return rel_idx.astype(np.int32)

def setup_inputs(seed: int = 0) -> dict:
    key = jax.random.key(seed)
    max_offset = 2 * GRID_SIZE - 1
    # learned parameter: trunc_normal(std=0.02) approximated by clipped normal
    bias_table = jnp.clip(jax.random.normal(key, (max_offset * max_offset, NUM_HEADS), dtype=jnp.float32) * 0.02, -0.04, 0.04)
    rel_idx = jnp.asarray(_build_rel_idx(GRID_SIZE))
    return {"bias_table": bias_table, "rel_idx": rel_idx}

def reference(bias_table, rel_idx):
    # bias_table: [max_offset**2, num_heads]; rel_idx: [grid**2, grid**2] int
    bias = jnp.take(bias_table, rel_idx, axis=0)  # [25, 25, num_heads] gather (embedding lookup)
    return jnp.transpose(bias, (2, 0, 1))  # [num_heads, 25, 25]

if __name__ == "__main__":
    import jax
    _d = setup_inputs()
    print(jax.jit(kernel)(*tuple(_d.values())))

</pallas_src>

<mosaic_0001>
#map = affine_map<(d0, d1) -> (0, 0)>
#map1 = affine_map<(d0, d1) -> (0, 0, 0)>
module attributes {stable_mosaic.version = 14 : i64} {
  func.func @body(%arg0: i32, %arg1: i32, %arg2: memref<81x16xf32, #tpu.memory_space<hbm>>, %arg3: memref<25x25xi32, #tpu.memory_space<hbm>>, %arg4: memref<16x25x25xf32, #tpu.memory_space<hbm>>, %arg5: memref<81x16xf32, #tpu.memory_space<vmem>>, %arg6: memref<25x25xi32, #tpu.memory_space<vmem>>, %arg7: memref<25x25xf32, #tpu.memory_space<vmem>>, %arg8: memref<!tpu.dma_semaphore, #tpu.memory_space<semaphore_mem>>, %arg9: memref<!tpu.dma_semaphore, #tpu.memory_space<semaphore_mem>>) attributes {dimension_semantics = [#tpu.dimension_semantics<core_parallel>, #tpu.dimension_semantics<subcore_parallel>], iteration_bounds = array<i64: 1, 16>, scalar_prefetch = 0 : i64, scratch_operands = 5 : i64, tpu.core_type = #tpu.core_type<sc_vector_subcore>, window_params = [{transform_indices = #map}, {transform_indices = #map}, {transform_indices = #map1}]} {
    %broadcast_in_dim3A = vector.broadcast %arg1 : i32 to vector<16xi32>
    tpu.enqueue_dma source(%arg2 : memref<81x16xf32, #tpu.memory_space<hbm>>) target(%arg5 : memref<81x16xf32, #tpu.memory_space<vmem>>) target_semaphore(%arg8 : memref<!tpu.dma_semaphore, #tpu.memory_space<semaphore_mem>>)
    tpu.enqueue_dma source(%arg3 : memref<25x25xi32, #tpu.memory_space<hbm>>) target(%arg6 : memref<25x25xi32, #tpu.memory_space<vmem>>) target_semaphore(%arg9 : memref<!tpu.dma_semaphore, #tpu.memory_space<semaphore_mem>>)
    tpu.wait_dma2 semaphore(%arg8 : memref<!tpu.dma_semaphore, #tpu.memory_space<semaphore_mem>>) src(%arg2 : memref<81x16xf32, #tpu.memory_space<hbm>>) dst(%arg5 : memref<81x16xf32, #tpu.memory_space<vmem>>)
    tpu.wait_dma2 semaphore(%arg9 : memref<!tpu.dma_semaphore, #tpu.memory_space<semaphore_mem>>) src(%arg3 : memref<25x25xi32, #tpu.memory_space<hbm>>) dst(%arg6 : memref<25x25xi32, #tpu.memory_space<vmem>>)
    %scan3A = arith.constant 0 : i32
    %scan3A_0 = arith.constant 0 : i32
    %scan3A_1 = arith.constant 25 : i32
    %scan3A_2 = arith.addi %scan3A_0, %scan3A_1 : i32
    %scan3A_3 = arith.constant 1 : i32
    scf.for %scan3A_5 = %scan3A_0 to %scan3A_2 step %scan3A_3  : i32 {
      %get3A = arith.index_cast %scan3A_5 : i32 to index
      %get3A_6 = arith.constant 0 : index
      %get3A_7 = tpu.vector_load %arg6[%get3A, %get3A_6] {strides = array<i32>} : memref<25x25xi32, #tpu.memory_space<vmem>>, vector<16xi32>,
      %gather3A = tpu.vector_load_idx %arg5[%get3A_7, %broadcast_in_dim3A] : memref<81x16xf32, #tpu.memory_space<vmem>>[vector<16xi32>, vector<16xi32>], vector<16xf32>,
      %swap3A = arith.index_cast %scan3A_5 : i32 to index
      %swap3A_8 = arith.constant 0 : index
      %swap3A_9 = tpu.vector_load %arg7[%swap3A, %swap3A_8] {strides = array<i32>} : memref<25x25xf32, #tpu.memory_space<vmem>>, vector<16xf32>,
      tpu.vector_store %arg7[%swap3A, %swap3A_8], %gather3A {strides = array<i32>} : memref<25x25xf32, #tpu.memory_space<vmem>>, vector<16xf32>,
      %get3A_10 = arith.index_cast %scan3A_5 : i32 to index
      %get3A_11 = arith.constant 9 : index
      %get3A_12 = tpu.vector_load %arg6[%get3A_10, %get3A_11] {strides = array<i32>} : memref<25x25xi32, #tpu.memory_space<vmem>>, vector<16xi32>,
      %gather3A_13 = tpu.vector_load_idx %arg5[%get3A_12, %broadcast_in_dim3A] : memref<81x16xf32, #tpu.memory_space<vmem>>[vector<16xi32>, vector<16xi32>], vector<16xf32>,
      %swap3A_14 = arith.index_cast %scan3A_5 : i32 to index
      %swap3A_15 = arith.constant 9 : index
      %swap3A_16 = tpu.vector_load %arg7[%swap3A_14, %swap3A_15] {strides = array<i32>} : memref<25x25xf32, #tpu.memory_space<vmem>>, vector<16xf32>,
      tpu.vector_store %arg7[%swap3A_14, %swap3A_15], %gather3A_13 {strides = array<i32>} : memref<25x25xf32, #tpu.memory_space<vmem>>, vector<16xf32>,
    }
    %scan3A_4 = arith.constant 25 : i32
    "tpu.region"() ({
      %run_scoped3A = tpu.sem_alloc : memref<!tpu.dma_semaphore, #tpu.memory_space<semaphore_mem>>
      %dma_start3A = arith.constant 0 : i32
      %dma_start3A_5 = arith.constant 0 : i32
      %dma_start3A_6 = tpu.memref_slice %arg4[%arg1, %dma_start3A, %dma_start3A_5] : memref<16x25x25xf32, #tpu.memory_space<hbm>> -> memref<1x25x25xf32, #tpu.memory_space<hbm>>
      %dma_start3A_7 = tpu.memref_squeeze %dma_start3A_6 : memref<1x25x25xf32, #tpu.memory_space<hbm>> -> memref<25x25xf32, #tpu.memory_space<hbm>>
      %dma_start3A_8 = arith.constant 0 : i32
      %dma_start3A_9 = arith.constant 0 : i32
      %dma_start3A_10 = tpu.memref_slice %arg4[%arg1, %dma_start3A_8, %dma_start3A_9] : memref<16x25x25xf32, #tpu.memory_space<hbm>> -> memref<1x25x25xf32, #tpu.memory_space<hbm>>
      %dma_start3A_11 = tpu.memref_squeeze %dma_start3A_10 : memref<1x25x25xf32, #tpu.memory_space<hbm>> -> memref<25x25xf32, #tpu.memory_space<hbm>>
      tpu.enqueue_dma source(%arg7 : memref<25x25xf32, #tpu.memory_space<vmem>>) target(%dma_start3A_11 : memref<25x25xf32, #tpu.memory_space<hbm>>) target_semaphore(%run_scoped3A : memref<!tpu.dma_semaphore, #tpu.memory_space<semaphore_mem>>)
      %dma_wait3A = arith.constant 0 : i32
      %dma_wait3A_12 = arith.constant 0 : i32
      %dma_wait3A_13 = tpu.memref_slice %arg4[%arg1, %dma_wait3A, %dma_wait3A_12] : memref<16x25x25xf32, #tpu.memory_space<hbm>> -> memref<1x25x25xf32, #tpu.memory_space<hbm>>
      %dma_wait3A_14 = tpu.memref_squeeze %dma_wait3A_13 : memref<1x25x25xf32, #tpu.memory_space<hbm>> -> memref<25x25xf32, #tpu.memory_space<hbm>>
      %dma_wait3A_15 = arith.constant 0 : i32
      %dma_wait3A_16 = arith.constant 0 : i32
      %dma_wait3A_17 = tpu.memref_slice %arg4[%arg1, %dma_wait3A_15, %dma_wait3A_16] : memref<16x25x25xf32, #tpu.memory_space<hbm>> -> memref<1x25x25xf32, #tpu.memory_space<hbm>>
      %dma_wait3A_18 = tpu.memref_squeeze %dma_wait3A_17 : memref<1x25x25xf32, #tpu.memory_space<hbm>> -> memref<25x25xf32, #tpu.memory_space<hbm>>
      tpu.wait_dma2 semaphore(%run_scoped3A : memref<!tpu.dma_semaphore, #tpu.memory_space<semaphore_mem>>) src(%arg7 : memref<25x25xf32, #tpu.memory_space<vmem>>) dst(%dma_wait3A_18 : memref<25x25xf32, #tpu.memory_space<hbm>>)
      tpu.yield
    }) : () -> ()
    return
  }
}

</mosaic_0001>

<sc_bundles>
// kernel: kernel.3.cloned.1.call-start
scs
__scs_entry_jumppad:
0x0: {  	(pc) =	sbr.rel $0x88, $3  }
0x1: {  	(tag) =	ssettag $0x0;
	lr =	simm.s32 $0x1  }
0x2: {  	[smem:$0x3F9F] =	sst lr;
	_ =	strace $0xD0000000  }
0x3: {  	_ = 	snop  }
0x4: {  	_ = 	snop  }
0x5: {  	_ = 	snop  }
0x6: {  	_ = 	snop  }
0x7: {  	_ = 	snop  }
__scs_overlays_trampoline_lowered:
0x8: {  	[smem:$0x3FAE] =	sst s0  }
0x9: {  	[smem:$0x3FAF] =	sst s1  }
0xa: {  	[smem:$0x3FB0] =	sst s2  }
0xb: {  	[smem:$0x3FB1] =	sst s3  }
0xc: {  	[smem:$0x3FB2] =	sst s4  }
0xd: {  	[smem:$0x3FB3] =	sst s5  }
0xe: {  	[smem:$0x3FB4] =	sst s6  }
0xf: {  	[smem:$0x3FB5] =	sst s7  }
0x10: {  	[smem:$0x3FB6] =	sst s8  }
0x11: {  	[smem:$0x3FB7] =	sst s9;
	s0 =	simm.s32 @!p0 $0x0  }
0x12: {  	s1 =	sld [smem:$0x3F9D];
	s0 =	simm.s32 @p0 $0x1  }
0x13: {  	[smem:$0x3FB8] =	sst s0;
	s0 =	simm.s32 @!p1 $0x0  }
0x14: {  	s2 =	sld [smem:$0x3F9C];
	s0 =	simm.s32 @p1 $0x1  }
0x15: {  	[smem:$0x3FB9] =	sst s0;
	s0 =	simm.s32 @!p2 $0x0  }
0x16: {  	s3 =	sld [smem:$0x3FDB];
	s0 =	simm.s32 @p2 $0x1  }
0x17: {  	s4 =	simm.s32 $0x1BF5;
	[smem:$0x3FBB] =	sst s0  }
0x18: {  	s0 =	sld [smem:$0x3F9E];
	_ =	swait.ge [sflag:s4], $0x0  }
0x19: {  	s7 =	sld [smem:$0x3F9F]  }
0x1a: {  	s8 =	sadd.s32 $0xFFFFE003, lr  }
0x1b: {  	s9 =	sadd.s32 $0xFFFFFEF7, lr;
	s5 =	simm.s32 $0xFFFFFFFF;
	p2 =	slt.u32 s8, $0xFFFFF086  }
0x1c: {  	p1 =	slt.u32 s9, $0xF7A;
	s5 =	simm.s32 @!p2 $0x0  }
0x1d: {  	s5 =	simm.s32 @p1 $0x1;
	p0 =	seq.s32 s7, s2  }
0x1e: {  	s7 =	smul.u32 @!p0 $0xF7A, s2;
	p2 =	seq.s32 @!p0 s5, $0x0  }
0x1f: {  	s9 =	smul.u32 $0xF7A, s1;
	s8 =	simm.s32 @!p0 $0x1BF5;
	p2 =	por !p2, p0  }
0x20: {  	[sflag:s8] =	ssyncset.s32 @!p0 $0xFFFFF086;
	s6 =	sadd.s32 @!p0 s3, s7;
	s7 =	simm.s32 @!p0 $0x108  }
0x21: {  	s3 =	sadd.s32 s3, s9;
	s6 =	sadd.s32 @!p0 $0x88, s6;
	s7 =	simm.s32 @p2 $0x1082  }
0x22: {  	[simem:s7], [sflag:s8] =	dma.local @!p0 [hbm:s6], $0xF7A  }
0x23: {  	s9 =	sor.u32 $0xD0000000, s2;
	s6 =	simm.s32 $0x108;
	_ =	swait.ge @!p0 [sflag:s8], $0x0  }
0x24: {  	s3 =	sadd.s32 $0x88, s3;
	s6 =	simm.s32 @!p1 $0x1082;
	[sflag:s4] =	ssyncset.s32 $0xFFFFF086  }
0x25: {  	[simem:s6], [sflag:s4] =	dma.local [hbm:s3], $0xF7A  }
0x26: {  	[smem:$0x3F9F] =	sst s1;
	(tag) =	ssettag s2;
	_ =	strace s9  }
0x27: {  	s1 =	sld [smem:$0x3FAF]  }
0x28: {  	s2 =	sld [smem:$0x3FB0]  }
0x29: {  	s4 =	sld [smem:$0x3FB2]  }
0x2a: {  	p0 =	seq.s32 s5, $0x0;
	s5 =	sld [smem:$0x3FB3]  }
0x2b: {  	s6 =	sld [smem:$0x3FB4]  }
0x2c: {  	s7 =	sld [smem:$0x3FB5]  }
0x2d: {  	s3 =	simm.s32 $0x108;
	s8 =	sld [smem:$0x3FB6]  }
0x2e: {  	s3 =	simm.s32 @!p0 $0x1082;
	s9 =	sld [smem:$0x3FB7]  }
0x2f: {  	lr =	sadd.s32 s0, s3;
	s0 =	sld [smem:$0x3FAE]  }
0x30: {  	s3 =	sld [smem:$0x3FB1]  }
0x31: {  	[smem:$0x3FBA] =	sst s10  }
0x32: {  	s10 =	sld [smem:$0x3FB8];
	_ =	sdelay $0x3  }
0x33: {  	p0 =	seq.s32 s10, $0x1;
	s10 =	sld [smem:$0x3FBA];
	_ =	sdelay $0x3  }
0x34: {  	[smem:$0x3FBA] =	sst s10  }
0x35: {  	s10 =	sld [smem:$0x3FB9];
	_ =	sdelay $0x3  }
0x36: {  	p1 =	seq.s32 s10, $0x1;
	s10 =	sld [smem:$0x3FBA];
	_ =	sdelay $0x3  }
0x37: {  	[smem:$0x3FBA] =	sst s10  }
0x38: {  	s10 =	sld [smem:$0x3FBB]  }
0x39: {  	_ = 	snop;
	(pc) =	sbr.ind lr, $3  }
0x3a: {  	_ = 	snop  }
0x3b: {  	_ = 	snop  }
0x3c: {  	p2 =	seq.s32 s10, $0x1;
	s10 =	sld [smem:$0x3FBA]  }
0x3d: {  	_ =	shalt  }
0x3e: {  	_ =	shalt  }
0x3f: {  	_ =	shalt  }
0x40: {  	_ =	shalt  }
0x41: {  	_ =	shalt  }
0x42: {  	_ =	shalt  }
0x43: {  	_ =	shalt  }
0x44: {  	_ =	shalt  }
0x45: {  	_ =	shalt  }
0x46: {  	_ =	shalt  }
0x47: {  	_ =	shalt  }
0x48: {  	_ =	shalt  }
0x49: {  	_ =	shalt  }
0x4a: {  	_ =	shalt  }
0x4b: {  	_ =	shalt  }
0x4c: {  	_ =	shalt  }
0x4d: {  	_ =	shalt  }
0x4e: {  	_ =	shalt  }
0x4f: {  	_ =	shalt  }
0x50: {  	_ =	shalt  }
0x51: {  	_ =	shalt  }
0x52: {  	_ =	shalt  }
0x53: {  	_ =	shalt  }
0x54: {  	_ =	shalt  }
0x55: {  	_ =	shalt  }
0x56: {  	_ =	shalt  }
0x57: {  	_ =	shalt  }
0x58: {  	_ =	shalt  }
0x59: {  	_ =	shalt  }
0x5a: {  	_ =	shalt  }
0x5b: {  	_ =	shalt  }
0x5c: {  	_ =	shalt  }
0x5d: {  	_ =	shalt  }
0x5e: {  	_ =	shalt  }
0x5f: {  	_ =	shalt  }
0x60: {  	_ =	shalt  }
0x61: {  	_ =	shalt  }
0x62: {  	_ =	shalt  }
0x63: {  	_ =	shalt  }
0x64: {  	_ =	shalt  }
0x65: {  	_ =	shalt  }
0x66: {  	_ =	shalt  }
0x67: {  	_ =	shalt  }
0x68: {  	_ =	shalt  }
0x69: {  	_ =	shalt  }
0x6a: {  	_ =	shalt  }
0x6b: {  	_ =	shalt  }
0x6c: {  	_ =	shalt  }
0x6d: {  	_ =	shalt  }
0x6e: {  	_ =	shalt  }
0x6f: {  	_ =	shalt  }
0x70: {  	_ =	shalt  }
0x71: {  	_ =	shalt  }
0x72: {  	_ =	shalt  }
0x73: {  	_ =	shalt  }
0x74: {  	_ =	shalt  }
0x75: {  	_ =	shalt  }
0x76: {  	_ =	shalt  }
0x77: {  	_ =	shalt  }
0x78: {  	_ =	shalt  }
0x79: {  	_ =	shalt  }
0x7a: {  	_ =	shalt  }
0x7b: {  	_ =	shalt  }
0x7c: {  	_ =	shalt  }
0x7d: {  	_ =	shalt  }
0x7e: {  	_ =	shalt  }
0x7f: {  	_ =	shalt  }
0x80: {  	_ =	shalt  }
0x81: {  	_ =	shalt  }
0x82: {  	_ =	shalt  }
0x83: {  	_ =	shalt  }
0x84: {  	_ =	shalt  }
0x85: {  	_ =	shalt  }
0x86: {  	_ =	shalt  }
0x87: {  	_ =	shalt  }
.Lfunc_end0:
.L_simem_size_0:
called_computation_lowered:
.L_overlay_start_0:
0x88: {  	s0 =	sld [smem:$0x3FD9]  }
0x89: {  	s1 =	sld [smem:$0x3FFE];
	_ =	sdelay $0x3  }
0x8a: {  	s0 =	sadd.s32 s1, s0  }
0x8b: {  	[smem:$0x3FC6] =	sst s0  }
0x8c: {  	_ = 	snop  }
0x8d: {  	s0 =	sld [smem:$0x3FD0];
	(tm) =	ssettm $0x1  }
0x8e: {  	s16 =	sld [smem:$0x3FFB];
	_ =	sdelay $0x3  }
0x8f: {  	_ =	strace s16  }
0x90: {  	s1 =	sld [smem:$0x3FFC];
	_ =	sdelay $0x3  }
0x91: {  	_ =	strace s1  }
0x92: {  	s1 =	sld [smem:$0x3FFD];
	_ =	sdelay $0x3  }
0x93: {  	_ =	strace s1  }
0x94: {  	_ =	strace $0x8FFFFFFF  }
0x95: {  	s17 =	sld [smem:$0x3FDB];
	_ =	sdelay $0x1  }
0x96: {  	s2 =	simm.s32 $_scs_section_size  }
0x97: {  	s3 =	simm.s32 $_size__tile_overlayer_lowered;
	s4 =	simm.s32 $_tile_overlayer_lowered  }
0x98: {  	s20 =	simm.s32 $0x1BFF;
	s19 =	sshll.u32 s4, $0x1;
	s1 =	sadd.s32 s2, s17  }
0x99: {  	s5 =	simm.s32 $0x0;
	s18 =	sshll.u32 s3, $0x1;
	s3 =	sadd.s32 s19, s1  }
0x9a: {  	[timem:s5], [sflag:s20] =	dma.local [hbm:s3], s18  }
0x9b: {  	_ =	swait.ge [sflag:s20], s18  }
0x9c: {  	s2 =	ssub.s32 $0x0, s18;
	[sflag:s20] =	ssyncset.done $0x0  }
0x9d: {  	[sflag:s20] =	ssyncadd.s32 s2;
	_ =	sdelay $0x1  }
0x9e: {  	s21 =	simm.s32 $0x1B8B  }
0x9f: {  	_ =	swait.ge [sflag:s21], $0x1  }
0xa0: {  	[sflag:s21] =	ssyncset.done $0x0  }
0xa1: {  	s23 =	simm.s32 $0x1B8E;
	s22 =	sld [smem:$0x3FFE];
	[sflag:s21] =	ssyncadd.s32 $0xFFFFFFFF  }
0xa2: {  	s24 =	simm.s32 $execute0_lowered;
	[smem:$0x3FD2] =	sst s23  }
0xa3: {  	s3 =	sshll.u32 s24, $0x1;
	_ =	strace $0x80000046;
	[dreg:$0x1] =	wrdreg $0xFFFFFFFF  }
0xa4: {  	s25 =	simm.s32 $_size_execute0_lowered;
	s1 =	sadd.s32 s1, s3;
	[dreg:$0x0] =	wrdreg $0x0  }
0xa5: {  	s3 =	sshll.u32 s25, $0x1;
	[dreg:$0x2] =	wrdreg s1  }
0xa6: {  	[dreg:$0x3] =	wrdreg s3  }
0xa7: {  	[dreg:$0x4] =	wrdreg $0xC0  }
0xa8: {  	_ =	task [dreg:s5], $0x5FFFF  }
0xa9: {  	[dreg:$0x1] =	wrdreg $0xFFFFFFFF  }
0xaa: {  	[dreg:$0x0] =	wrdreg $0x60  }
0xab: {  	[dreg:$0x2] =	wrdreg s22  }
0xac: {  	[dreg:$0x3] =	wrdreg s0  }
0xad: {  	[dreg:$0x4] =	wrdreg $0x9  }
0xae: {  	_ =	task.clear_ibuf [dreg:s5], $0x5FFFF;
	_ =	strace $0x90000046  }
0xaf: {  	s26 =	simm.s32 $0x9;
	_ =	strace $0x80000048  }
0xb0: {  	_ =	swait.ge [sflag:s26], $0x1  }
0xb1: {  	[sflag:s26] =	ssyncadd.s32 $0xFFFFFFFF  }
0xb2: {  	_ =	strace $0x90000048  }
0xb3: {  	_ =	sfence  }
0xb4: {  	s28 =	sld [smem:$0x0];
	_ =	sdelay $0x1  }
0xb5: {  	s29 =	srdreg.scid  }
0xb6: {  	s30 =	sshll.u32 s29, $0xD;
	s31 =	sshrl.u32 s29, $0x2  }
0xb7: {  	s2 =	sand.u32 $0x4000, s30;
	s1 =	sand.u32 $0x1, s29;
	s0 =	sadd.s32 s31, s28  }
0xb8: {  	s1 =	sor.u32 s2, s1;
	s0 =	sshll.u32 s0, $0x11  }
0xb9: {  	s0 =	sor.u32 s0, s1  }
0xba: {  	s0 =	sadd.s32 $0x8F2B, s0  }
0xbb: {  	[sflag:s0] =	ssyncadd.remote.s32 $0x1  }
0xbc: {  	_ =	sfence.sel $0xFFFF  }
0xbd: {  	[dreg:$0x0] =	wrdreg $0xFFFFFFFF;
	(pc) =	sbr.abs _section_cstart, $3  }
0xbe: {  	[dreg:$0x1] =	wrdreg $0xFFFFFFFF  }
0xbf: {  	_ =	task.clear_ibuf [dreg:s5], $0x2FFFF;
	_ =	strace $0x9FFFFFFF  }
0xc0: {  	(tm) =	ssettm $0x7FFFFFFF  }
0xc1: {  	_ =	shalt  }
tec
execute0_lowered:
.L_overlay_start_1:
0x0: {  	(tag) =	ssettag $0x1  }
0x1: {  	s3 =	rddreg [dreg:$0x0]  }
0x2: {  	s1 =	rddreg [dreg:$0x1];
	s2 =	simm.s32 $0x0  }
0x3: {  	[smem:$0x7FF] =	sst s2  }
0x4: {  	s0 =	rddreg [dreg:$0x2];
	s4 =	sadd.s32 $0x800, s3;
	_ =	strace $0x80000047  }
0x5: {  	[tilespmem:s2], [sflag:$0x1] =	stream.linear.gather [hbm4b:s4+s2], $0x510, $0x38;
	[tilespmem:$0xB50] =	vst v63  }
0x6: {  	s29 =	simm.s32 $0x510;
	s30 =	simm.s32 $0x1;
	s3 =	sadd.s32 $0x600, s3  }
0x7: {  	[tilespmem:s29], [sflag:$0x2] =	stream.linear.gather [hbm4b:s3+s2], $0x320, $0x38;
	[tilespmem:$0xB50] =	vst v63  }
0x8: {  	_ =	swait.ge [sflag:s30], $0x510  }
0x9: {  	[sflag:s30] =	ssyncset.done $0x0  }
0xa: {  	s31 =	simm.s32 $0x2;
	[sflag:s30] =	ssyncadd.s32 $0xFFFFFAF0  }
0xb: {  	_ =	swait.ge [sflag:s31], $0x320  }
0xc: {  	[sflag:s31] =	ssyncset.done $0x0  }
0xd: {  	s4 =	simm.s32 $0x0;
	[sflag:s31] =	ssyncadd.s32 $0xFFFFFCE0  }
0xe: {  	v1 =	vld [tilespmem:s4+$0x510];
	_ =	sdelay $0x3  }
0xf: {  	s3 =	stileid.u32  }
0x10: {  	v0 =	vmov s3;
	v1 =	vshll.u32 v1, $0x4  }
0x11: {  	v2 =	vld [tilespmem:s4+$0x519];
	v1 =	vor.u32 v0, v1;
	_ =	sdelay $0x4  }
0x12: {  	v2 =	vshll.u32 v2, $0x4;
	v1 =	vld.idx.msk [tilespmem:v1+s2+$0x0], $0xffff  }
0x13: {  	s5 =	simm.s32 $0x20;
	s6 =	simm.s32 $0x100;
	v2 =	vor.u32 v0, v2  }
.LBB2_1:
0x14: {  	p0 =	sne.s32 s6, $0xC00;
	v3 =	vld [tilespmem:s5+$0x510];
	_ =	sdelay $0x2  }
0x15: {  	[tilespmem:s4+$0x830] =	vst v1  }
0x16: {  	v1 =	vld.idx.msk [tilespmem:v2+s2+$0x0], $0xffff  }
0x17: {  	v2 =	vshll.u32 v3, $0x4  }
0x18: {  	v2 =	vor.u32 v0, v2  }
0x19: {  	v3 =	vld [tilespmem:s5+$0x519];
	_ =	sdelay $0x1  }
.Ltmp0:
0x1a: {  	(pc) =	sbr.rel @p0 .LBB2_1-.Ltmp0, $4  }
0x1b: {  	[tilespmem:s4+$0x839] =	vst v1;
	s4 =	smov.u32 s5  }
0x1c: {  	v1 =	vld.idx.msk [tilespmem:v2+s2+$0x0], $0xffff  }
0x1d: {  	v2 =	vshll.u32 v3, $0x4  }
0x1e: {  	s5 =	sshra.s32 s6, $0x2;
	s6 =	sadd.s32 $0x80, s6;
	v2 =	vor.u32 v0, v2  }
0x1f: {  	v3 =	vld [tilespmem:s5+$0x510];
	_ =	sdelay $0x3  }
0x20: {  	[tilespmem:s4+$0x830] =	vst v1  }
0x21: {  	v1 =	vld.idx.msk [tilespmem:v2+s2+$0x0], $0xffff;
	v60 =	vshll.u32 v3, $0x4  }
0x22: {  	v61 =	vld [tilespmem:s5+$0x519];
	v2 =	vor.u32 v0, v60;
	_ =	sdelay $0x3  }
0x23: {  	[tilespmem:s4+$0x839] =	vst v1  }
0x24: {  	v62 =	vshll.u32 v61, $0x4;
	v1 =	vld.idx.msk [tilespmem:v2+s2+$0x0], $0xffff  }
0x25: {  	v63 =	vor.u32 v0, v62;
	_ =	sdelay $0x3  }
0x26: {  	[tilespmem:s5+$0x830] =	vst v1  }
0x27: {  	v0 =	vld.idx.msk [tilespmem:v63+s2+$0x0], $0xffff;
	_ =	sdelay $0x2  }
0x28: {  	s28 =	smul.u32 $0x64, s3  }
0x29: {  	s29 =	simm.s32 $0x0  }
0x2a: {  	s30 =	simm.s32 $0x830;
	s31 =	simm.s32 $0x3;
	s1 =	sadd.s32 s1, s28;
	[tilespmem:s5+$0x839] =	vst v0  }
0x2b: {  	[hbm4b:s1+s29] =	stream.linear.scatter [tilespmem:s30], [sflag:$0x3], $0x320, $0x38;
	[tilespmem:$0xB50] =	vst v63  }
0x2c: {  	_ =	swait.ge [sflag:s31], $0x320  }
0x2d: {  	[sflag:s31] =	ssyncset.done $0x0  }
0x2e: {  	[sflag:s31] =	ssyncadd.s32 $0xFFFFFCE0  }
0x2f: {  	_ =	sfence.sel $0x180000  }
0x30: {  	[bflag:$0x0] =	sbarrier.arrive $0xFFFF  }
0x31: {  	p0 =	sne.s32 s3, $0x0;
	_ =	strace $0x90000047  }
0x32: {  	s0 =	sadd.s32 @!p0 $0x100000, s0;
	[bflag:$0x2] =	sbarrier.arrive $0xFFFF  }
0x33: {  	[sflag:s0] =	ssyncadd.tile.s32 @!p0 $0x1;
	_ =	shalt  }
.Lfunc_end2:
_tile_overlayer_lowered:
.L_overlay_start_2:
0x34: {  	(tag) =	ssettag $0x2  }
0x35: {  	s0 =	rddreg [dreg:$0x0];
	s2 =	stileid.u32  }
0x36: {  	s1 =	rddreg [dreg:$0x1];
	p0 =	sne.s32 s2, $0x0  }
0x37: {  	s3 =	rddreg [dreg:$0x2];
	[bflag:$0x3] =	sbarrier.arrive $0xFFFF;
	s2 =	simm.s32 @!p0 $0x1C03  }
0x38: {  	[timem:s3], [sflag:s2] =	dma.local @!p0 [hbm:s0], s1  }
0x39: {  	s0 =	simm.s32 @!p0 $0x3  }
0x3a: {  	_ =	swait.ge @!p0 [sflag:s0], s1  }
0x3b: {  	s1 =	ssub.s32 @!p0 $0x0, s1;
	[sflag:s0] =	ssyncset.done @!p0 $0x0  }
0x3c: {  	[sflag:s0] =	ssyncadd.s32 @!p0 s1  }
0x3d: {  	[bflag:$0x3] =	sbarrier.arrive $0xFFFF  }
0x3e: {  	_ =	shalt  }

</sc_bundles>
